<compile_context>
chip_gen: v7x
topology: tpu7x:2x2x1
jax: 0.10.2.dev20260603
libtpu: 0.0.44.dev20260713+nightly
codegen_flags: <defaults>
</compile_context>

<pallas_src>
import functools

import jax
import jax.numpy as jnp
from jax import lax
from jax.experimental import pallas as pl
from jax.experimental.pallas import tpu as pltpu
from jax.experimental.pallas import tpu_sc as plsc

_DATASET = 1000000
_BATCH = 16384
_FIELDS = 26
_D = 32
_B = _BATCH * _FIELDS
_NC = 2
_NS = 16
_NW = _NC * _NS
_BPW = _B // _NW
_CH = 1024
_NCHUNK = _BPW // _CH
_NBUF = 3

_T1_W = 65536
_T1_Q = _T1_W // 4
_T1_STEPS = -(-_DATASET // _T1_W)
_T1_ROWS = _T1_STEPS * _T1_Q

_T2_U = _BATCH // 4


def _pack_table_body(wt_ref, ti_ref, out_ref, fidx_ref):
    x = wt_ref[...]
    z = jnp.concatenate(
        [x[:, a * _T1_Q:(a + 1) * _T1_Q] for a in range(4)], axis=0
    )
    out_ref[...] = z.T

    @pl.when(pl.program_id(0) == 0)
    def _():
        v = ti_ref[...]
        fidx_ref[...] = (
            jnp.bitwise_and(v, -_T1_W)
            + (jnp.bitwise_and(v, _T1_Q - 1) << 2)
            + jnp.bitwise_and(v >> 14, 3)
        )


def _pack_table(wt, ti):
    return pl.pallas_call(
        _pack_table_body,
        grid=(_T1_STEPS,),
        in_specs=[
            pl.BlockSpec((_D, _T1_W), lambda i: (0, i)),
            pl.BlockSpec((_FIELDS, _BATCH), lambda i: (0, 0)),
        ],
        out_specs=[
            pl.BlockSpec((_T1_Q, 128), lambda i: (i, 0)),
            pl.BlockSpec((_FIELDS, _BATCH), lambda i: (0, 0)),
        ],
        out_shape=[
            jax.ShapeDtypeStruct((_T1_ROWS, 128), jnp.float32),
            jax.ShapeDtypeStruct((_FIELDS, _BATCH), jnp.int32),
        ],
        compiler_params=pltpu.CompilerParams(
            dimension_semantics=("parallel",),
        ),
    )(wt, ti)


def _sc_gather(idx_flat, table):
    mesh = plsc.VectorSubcoreMesh(core_axis_name="c", subcore_axis_name="s")

    @functools.partial(
        pl.kernel,
        mesh=mesh,
        out_type=jax.ShapeDtypeStruct((_B // 4, 128), jnp.float32),
        compiler_params=pltpu.CompilerParams(use_tc_tiling_on_sc=False),
        scratch_types=[
            pltpu.VMEM((_BPW,), jnp.int32),
            pltpu.VMEM((_NBUF, _CH, _D), jnp.float32),
            pltpu.SemaphoreType.DMA((_NBUF,)),
            pltpu.SemaphoreType.DMA((_NBUF,)),
        ],
    )
    def k(idx_hbm, table_hbm, out_hbm, idx_v, rows_v, gsem, wsem):
        wid = lax.axis_index("s") * _NC + lax.axis_index("c")
        base = wid * _BPW
        pltpu.sync_copy(idx_hbm.at[pl.ds(base, _BPW)], idx_v)

        def gather(ci, buf):
            return pltpu.make_async_copy(
                table_hbm.at[idx_v.at[pl.ds(ci * _CH, _CH)]],
                rows_v.at[buf],
                gsem.at[buf],
            )

        def write(ci, buf):
            g0 = base + ci * _CH
            p = g0 // (_BATCH // 4)
            u0 = lax.rem(g0, _BATCH // 4)
            c0 = (p // 4) * (_BATCH // 4) + u0
            a = lax.rem(p, 4)
            return pltpu.make_async_copy(
                rows_v.at[buf],
                out_hbm.at[pl.ds(c0, _CH), pl.ds(a * _D, _D)],
                wsem.at[buf],
            )

        for k in range(_NBUF):
            gather(k, k).start()

        @pl.loop(0, _NCHUNK)
        def _(ci):
            buf = lax.rem(ci, _NBUF)
            prv = lax.rem(ci + _NBUF - 1, _NBUF)

            @pl.when(ci >= 1)
            def _():
                write(ci - 1, prv).wait()

            @pl.when(jnp.logical_and(ci >= 1, ci + _NBUF - 1 < _NCHUNK))
            def _():
                gather(ci + _NBUF - 1, prv).start()

            gather(ci, buf).wait()
            write(ci, buf).start()

        write(_NCHUNK - 1, lax.rem(_NCHUNK - 1, _NBUF)).wait()

    return k(idx_flat, table)


_T2_F = 2


def _unpack_relu_body(g_ref, o_ref):
    x = g_ref[...]
    xt = x.T
    for i in range(_T2_F):
        parts = [
            xt[a * _D:(a + 1) * _D, i * _T2_U:(i + 1) * _T2_U]
            for a in range(4)
        ]
        o_ref[i] = jnp.maximum(jnp.concatenate(parts, axis=1), 0.0)


def _unpack_relu(g128):
    return pl.pallas_call(
        _unpack_relu_body,
        grid=(_FIELDS // _T2_F,),
        in_specs=[pl.BlockSpec((_T2_F * _T2_U, 128), lambda f: (f, 0))],
        out_specs=pl.BlockSpec((_T2_F, _D, _BATCH), lambda f: (f, 0, 0)),
        out_shape=jax.ShapeDtypeStruct((_FIELDS, _D, _BATCH), jnp.float32),
        compiler_params=pltpu.CompilerParams(
            dimension_semantics=("parallel",),
        ),
    )(g128)


def kernel(indices, weight):
    wt = weight.T
    ti = indices.T.astype(jnp.int32)
    w2, fidx2 = _pack_table(wt, ti)
    table = w2.reshape(_T1_ROWS * 4, _D)
    fidx = fidx2.reshape(-1)

    g128 = _sc_gather(fidx, table)
    o_phys = _unpack_relu(g128)
    return o_phys.transpose(2, 0, 1)

# --- scband reference (transcript-rebuilt; emitter-appended) ---
"""Pipeline reference for scband-tabular-state-19842748908191 (READ-ONLY COPY).

The authoritative reference and input builder live on the scoring server;
editing this copy changes nothing except your own understanding.
"""

import jax, jax.numpy as jnp
import numpy as np

DATASET_SIZE = 1000000
STATE_SIZE = 32
BATCH = 16384
FIELDS = 26

def setup_inputs(seed: int = 0) -> dict:
    key = jax.random.key(seed)
    k_idx, k_w = jax.random.split(key)
    indices = jax.random.randint(k_idx, (BATCH, FIELDS), 0, DATASET_SIZE, dtype=jnp.int64)
    weight = jax.random.normal(k_w, (DATASET_SIZE, STATE_SIZE), dtype=jnp.float32)
    return {"indices": indices, "weight": weight}

def reference(indices, weight):
    # nn.Embedding lookup followed by ReLU
    emb = jnp.take(weight, indices, axis=0)
    return jax.nn.relu(emb)

if __name__ == "__main__":
    import jax
    _d = setup_inputs()
    print(jax.jit(kernel)(*tuple(_d.values())))

</pallas_src>

<mosaic_0001>
#map = affine_map<(d0, d1) -> (0)>
#map1 = affine_map<(d0, d1) -> (0, 0)>
module attributes {stable_mosaic.version = 14 : i64} {
  func.func @k(%arg0: i32, %arg1: i32, %arg2: memref<425984xi32, #tpu.memory_space<hbm>>, %arg3: memref<1048576x32xf32, #tpu.memory_space<hbm>>, %arg4: memref<106496x128xf32, #tpu.memory_space<hbm>>, %arg5: memref<13312xi32, #tpu.memory_space<vmem>>, %arg6: memref<3x1024x32xf32, #tpu.memory_space<vmem>>, %arg7: memref<3x!tpu.dma_semaphore, #tpu.memory_space<semaphore_mem>>, %arg8: memref<3x!tpu.dma_semaphore, #tpu.memory_space<semaphore_mem>>) attributes {dimension_semantics = [#tpu.dimension_semantics<core_parallel>, #tpu.dimension_semantics<subcore_parallel>], iteration_bounds = array<i64: 2, 16>, scalar_prefetch = 0 : i64, scratch_operands = 4 : i64, tpu.core_type = #tpu.core_type<sc_vector_subcore>, window_params = [{transform_indices = #map}, {transform_indices = #map1}, {transform_indices = #map1}]} {
    %mul3A = arith.constant 2 : i32
    %mul3A_0 = arith.muli %arg1, %mul3A : i32
    %add3A = arith.addi %mul3A_0, %arg0 : i32
    %mul3A_1 = arith.constant 13312 : i32
    %mul3A_2 = arith.muli %add3A, %mul3A_1 : i32
    "tpu.region"() ({
      %run_scoped3A = tpu.sem_alloc : memref<!tpu.dma_semaphore, #tpu.memory_space<semaphore_mem>>
      %dma_start3A_110 = tpu.memref_slice %arg2[%mul3A_2] : memref<425984xi32, #tpu.memory_space<hbm>> -> memref<13312xi32, #tpu.memory_space<hbm>>
      %dma_start3A_111 = tpu.memref_slice %arg2[%mul3A_2] : memref<425984xi32, #tpu.memory_space<hbm>> -> memref<13312xi32, #tpu.memory_space<hbm>>
      tpu.enqueue_dma source(%dma_start3A_111 : memref<13312xi32, #tpu.memory_space<hbm>>) target(%arg5 : memref<13312xi32, #tpu.memory_space<vmem>>) target_semaphore(%run_scoped3A : memref<!tpu.dma_semaphore, #tpu.memory_space<semaphore_mem>>)
      %dma_wait3A_112 = tpu.memref_slice %arg2[%mul3A_2] : memref<425984xi32, #tpu.memory_space<hbm>> -> memref<13312xi32, #tpu.memory_space<hbm>>
      %dma_wait3A_113 = tpu.memref_slice %arg2[%mul3A_2] : memref<425984xi32, #tpu.memory_space<hbm>> -> memref<13312xi32, #tpu.memory_space<hbm>>
      tpu.wait_dma2 semaphore(%run_scoped3A : memref<!tpu.dma_semaphore, #tpu.memory_space<semaphore_mem>>) src(%dma_wait3A_113 : memref<13312xi32, #tpu.memory_space<hbm>>) dst(%arg5 : memref<13312xi32, #tpu.memory_space<vmem>>)
      tpu.yield
    }) : () -> ()
    %dma_start3A = arith.constant 0 : i32
    %dma_start3A_3 = arith.constant 0 : i32
    %dma_start3A_4 = arith.constant 0 : i32
    %dma_start3A_5 = arith.constant 0 : i32
    %dma_start3A_6 = tpu.memref_slice %arg6[%dma_start3A, %dma_start3A_4, %dma_start3A_5] : memref<3x1024x32xf32, #tpu.memory_space<vmem>> -> memref<1x1024x32xf32, #tpu.memory_space<vmem>>
    %dma_start3A_7 = tpu.memref_squeeze %dma_start3A_6 : memref<1x1024x32xf32, #tpu.memory_space<vmem>> -> memref<1024x32xf32, #tpu.memory_space<vmem>>
    %dma_start3A_8 = arith.constant 0 : i32
    %dma_start3A_9 = tpu.memref_slice %arg5[%dma_start3A_8] : memref<13312xi32, #tpu.memory_space<vmem>> -> memref<1024xi32, #tpu.memory_space<vmem>>
    %dma_start3A_10 = arith.constant 0 : i32
    %dma_start3A_11 = arith.constant 0 : i32
    %dma_start3A_12 = tpu.memref_slice %arg3[%dma_start3A_10, %dma_start3A_11] : memref<1048576x32xf32, #tpu.memory_space<hbm>> -> memref<1048576x32xf32, #tpu.memory_space<hbm>>
    %dma_start3A_13 = tpu.memref_slice %arg7[%dma_start3A_3] : memref<3x!tpu.dma_semaphore, #tpu.memory_space<semaphore_mem>> -> memref<1x!tpu.dma_semaphore, #tpu.memory_space<semaphore_mem>>
    %dma_start3A_14 = tpu.memref_squeeze %dma_start3A_13 : memref<1x!tpu.dma_semaphore, #tpu.memory_space<semaphore_mem>> -> memref<!tpu.dma_semaphore, #tpu.memory_space<semaphore_mem>>
    tpu.enqueue_indirect_dma source(%dma_start3A_12 : memref<1048576x32xf32, #tpu.memory_space<hbm>>) target(%dma_start3A_7 : memref<1024x32xf32, #tpu.memory_space<vmem>>) offsets(%dma_start3A_9 : memref<1024xi32, #tpu.memory_space<vmem>>) semaphore(%dma_start3A_14 : memref<!tpu.dma_semaphore, #tpu.memory_space<semaphore_mem>>)
    %dma_start3A_15 = arith.constant 1 : i32
    %dma_start3A_16 = arith.constant 1 : i32
    %dma_start3A_17 = arith.constant 0 : i32
    %dma_start3A_18 = arith.constant 0 : i32
    %dma_start3A_19 = tpu.memref_slice %arg6[%dma_start3A_15, %dma_start3A_17, %dma_start3A_18] : memref<3x1024x32xf32, #tpu.memory_space<vmem>> -> memref<1x1024x32xf32, #tpu.memory_space<vmem>>
    %dma_start3A_20 = tpu.memref_squeeze %dma_start3A_19 : memref<1x1024x32xf32, #tpu.memory_space<vmem>> -> memref<1024x32xf32, #tpu.memory_space<vmem>>
    %dma_start3A_21 = arith.constant 1024 : i32
    %dma_start3A_22 = tpu.memref_slice %arg5[%dma_start3A_21] : memref<13312xi32, #tpu.memory_space<vmem>> -> memref<1024xi32, #tpu.memory_space<vmem>>
    %dma_start3A_23 = arith.constant 0 : i32
    %dma_start3A_24 = arith.constant 0 : i32
    %dma_start3A_25 = tpu.memref_slice %arg3[%dma_start3A_23, %dma_start3A_24] : memref<1048576x32xf32, #tpu.memory_space<hbm>> -> memref<1048576x32xf32, #tpu.memory_space<hbm>>
    %dma_start3A_26 = tpu.memref_slice %arg7[%dma_start3A_16] : memref<3x!tpu.dma_semaphore, #tpu.memory_space<semaphore_mem>> -> memref<1x!tpu.dma_semaphore, #tpu.memory_space<semaphore_mem>>
    %dma_start3A_27 = tpu.memref_squeeze %dma_start3A_26 : memref<1x!tpu.dma_semaphore, #tpu.memory_space<semaphore_mem>> -> memref<!tpu.dma_semaphore, #tpu.memory_space<semaphore_mem>>
    tpu.enqueue_indirect_dma source(%dma_start3A_25 : memref<1048576x32xf32, #tpu.memory_space<hbm>>) target(%dma_start3A_20 : memref<1024x32xf32, #tpu.memory_space<vmem>>) offsets(%dma_start3A_22 : memref<1024xi32, #tpu.memory_space<vmem>>) semaphore(%dma_start3A_27 : memref<!tpu.dma_semaphore, #tpu.memory_space<semaphore_mem>>)
    %dma_start3A_28 = arith.constant 2 : i32
    %dma_start3A_29 = arith.constant 2 : i32
    %dma_start3A_30 = arith.constant 0 : i32
    %dma_start3A_31 = arith.constant 0 : i32
    %dma_start3A_32 = tpu.memref_slice %arg6[%dma_start3A_28, %dma_start3A_30, %dma_start3A_31] : memref<3x1024x32xf32, #tpu.memory_space<vmem>> -> memref<1x1024x32xf32, #tpu.memory_space<vmem>>
    %dma_start3A_33 = tpu.memref_squeeze %dma_start3A_32 : memref<1x1024x32xf32, #tpu.memory_space<vmem>> -> memref<1024x32xf32, #tpu.memory_space<vmem>>
    %dma_start3A_34 = arith.constant 2048 : i32
    %dma_start3A_35 = tpu.memref_slice %arg5[%dma_start3A_34] : memref<13312xi32, #tpu.memory_space<vmem>> -> memref<1024xi32, #tpu.memory_space<vmem>>
    %dma_start3A_36 = arith.constant 0 : i32
    %dma_start3A_37 = arith.constant 0 : i32
    %dma_start3A_38 = tpu.memref_slice %arg3[%dma_start3A_36, %dma_start3A_37] : memref<1048576x32xf32, #tpu.memory_space<hbm>> -> memref<1048576x32xf32, #tpu.memory_space<hbm>>
    %dma_start3A_39 = tpu.memref_slice %arg7[%dma_start3A_29] : memref<3x!tpu.dma_semaphore, #tpu.memory_space<semaphore_mem>> -> memref<1x!tpu.dma_semaphore, #tpu.memory_space<semaphore_mem>>
    %dma_start3A_40 = tpu.memref_squeeze %dma_start3A_39 : memref<1x!tpu.dma_semaphore, #tpu.memory_space<semaphore_mem>> -> memref<!tpu.dma_semaphore, #tpu.memory_space<semaphore_mem>>
    tpu.enqueue_indirect_dma source(%dma_start3A_38 : memref<1048576x32xf32, #tpu.memory_space<hbm>>) target(%dma_start3A_33 : memref<1024x32xf32, #tpu.memory_space<vmem>>) offsets(%dma_start3A_35 : memref<1024xi32, #tpu.memory_space<vmem>>) semaphore(%dma_start3A_40 : memref<!tpu.dma_semaphore, #tpu.memory_space<semaphore_mem>>)
    %scan3A = arith.constant 0 : i32
    %scan3A_41 = arith.constant 13 : i32
    %scan3A_42 = arith.addi %scan3A, %scan3A_41 : i32
    %scan3A_43 = arith.constant 1 : i32
    scf.for %scan3A_110 = %scan3A to %scan3A_42 step %scan3A_43  : i32 {
      %mul3A_111 = arith.constant 1 : i32
      %mul3A_112 = arith.muli %scan3A_110, %mul3A_111 : i32
      %add3A_113 = arith.constant 0 : i32
      %add3A_114 = arith.addi %add3A_113, %mul3A_112 : i32
      %rem3A_115 = arith.constant 3 : i32
      %rem3A_116 = arith.remsi %add3A_114, %rem3A_115 : i32
      %add3A_117 = arith.constant 3 : i32
      %add3A_118 = arith.addi %add3A_114, %add3A_117 : i32
      %sub3A_119 = arith.constant 1 : i32
      %sub3A_120 = arith.subi %add3A_118, %sub3A_119 : i32
      %rem3A_121 = arith.constant 3 : i32
      %rem3A_122 = arith.remsi %sub3A_120, %rem3A_121 : i32
      %ge3A = arith.constant 1 : i32
      %ge3A_123 = arith.cmpi sge, %add3A_114, %ge3A : i32
      %convert_element_type3A = arith.extui %ge3A_123 : i1 to i32
      %cond3A = arith.constant 0 : i32
      %cond3A_124 = arith.cmpi ne, %convert_element_type3A, %cond3A : i32
      scf.if %cond3A_124 {
        %sub3A_220 = arith.constant 1 : i32
        %sub3A_221 = arith.subi %add3A_114, %sub3A_220 : i32
        %mul3A_222 = arith.constant 1024 : i32
        %mul3A_223 = arith.muli %sub3A_221, %mul3A_222 : i32
        %add3A_224 = arith.addi %mul3A_2, %mul3A_223 : i32
        %jit3A_225 = arith.constant 4096 : i32
        %div3A_226 = arith.divsi %add3A_224, %jit3A_225 : i32
        %sign3A_227 = arith.constant 0 : i32
        %sign3A_228 = arith.cmpi sgt, %add3A_224, %sign3A_227 : i32
        %sign3A_229 = arith.extui %sign3A_228 : i1 to i32
        %sign3A_230 = arith.constant 0 : i32
        %sign3A_231 = arith.cmpi slt, %add3A_224, %sign3A_230 : i32
        %sign3A_232 = arith.extui %sign3A_231 : i1 to i32
        %sign3A_233 = arith.subi %sign3A_229, %sign3A_232 : i32
        %sign3A_234 = arith.constant 0 : i32
        %sign3A_235 = arith.cmpi sgt, %jit3A_225, %sign3A_234 : i32
        %sign3A_236 = arith.extui %sign3A_235 : i1 to i32
        %sign3A_237 = arith.constant 0 : i32
        %sign3A_238 = arith.cmpi slt, %jit3A_225, %sign3A_237 : i32
        %sign3A_239 = arith.extui %sign3A_238 : i1 to i32
        %sign3A_240 = arith.subi %sign3A_236, %sign3A_239 : i32
        %ne3A_241 = arith.cmpi ne, %sign3A_233, %sign3A_240 : i32
        %rem3A_242 = arith.remsi %add3A_224, %jit3A_225 : i32
        %ne3A_243 = arith.constant 0 : i32
        %ne3A_244 = arith.cmpi ne, %rem3A_242, %ne3A_243 : i32
        %and3A_245 = arith.andi %ne3A_241, %ne3A_244 : i1
        %sub3A_246 = arith.constant 1 : i32
        %sub3A_247 = arith.subi %div3A_226, %sub3A_246 : i32
        %select_n3A_248 = arith.select %and3A_245, %sub3A_247, %div3A_226 : i32
        %rem3A_249 = arith.constant 4096 : i32
        %rem3A_250 = arith.remsi %add3A_224, %rem3A_249 : i32
        %jit3A_251 = arith.constant 4 : i32
        %div3A_252 = arith.divsi %select_n3A_248, %jit3A_251 : i32
        %sign3A_253 = arith.constant 0 : i32
        %sign3A_254 = arith.cmpi sgt, %select_n3A_248, %sign3A_253 : i32
        %sign3A_255 = arith.extui %sign3A_254 : i1 to i32
        %sign3A_256 = arith.constant 0 : i32
        %sign3A_257 = arith.cmpi slt, %select_n3A_248, %sign3A_256 : i32
        %sign3A_258 = arith.extui %sign3A_257 : i1 to i32
        %sign3A_259 = arith.subi %sign3A_255, %sign3A_258 : i32
        %sign3A_260 = arith.constant 0 : i32
        %sign3A_261 = arith.cmpi sgt, %jit3A_251, %sign3A_260 : i32
        %sign3A_262 = arith.extui %sign3A_261 : i1 to i32
        %sign3A_263 = arith.constant 0 : i32
        %sign3A_264 = arith.cmpi slt, %jit3A_251, %sign3A_263 : i32
        %sign3A_265 = arith.extui %sign3A_264 : i1 to i32
        %sign3A_266 = arith.subi %sign3A_262, %sign3A_265 : i32
        %ne3A_267 = arith.cmpi ne, %sign3A_259, %sign3A_266 : i32
        %rem3A_268 = arith.remsi %select_n3A_248, %jit3A_251 : i32
        %ne3A_269 = arith.constant 0 : i32
        %ne3A_270 = arith.cmpi ne, %rem3A_268, %ne3A_269 : i32
        %and3A_271 = arith.andi %ne3A_267, %ne3A_270 : i1
        %sub3A_272 = arith.constant 1 : i32
        %sub3A_273 = arith.subi %div3A_252, %sub3A_272 : i32
        %select_n3A_274 = arith.select %and3A_271, %sub3A_273, %div3A_252 : i32
        %mul3A_275 = arith.constant 4096 : i32
        %mul3A_276 = arith.muli %select_n3A_274, %mul3A_275 : i32
        %add3A_277 = arith.addi %mul3A_276, %rem3A_250 : i32
        %rem3A_278 = arith.constant 4 : i32
        %rem3A_279 = arith.remsi %select_n3A_248, %rem3A_278 : i32
        %mul3A_280 = arith.constant 32 : i32
        %mul3A_281 = arith.muli %rem3A_279, %mul3A_280 : i32
        %dma_wait3A_282 = arith.constant 0 : i32
        %dma_wait3A_283 = arith.constant 0 : i32
        %dma_wait3A_284 = tpu.memref_slice %arg6[%rem3A_122, %dma_wait3A_282, %dma_wait3A_283] : memref<3x1024x32xf32, #tpu.memory_space<vmem>> -> memref<1x1024x32xf32, #tpu.memory_space<vmem>>
        %dma_wait3A_285 = tpu.memref_squeeze %dma_wait3A_284 : memref<1x1024x32xf32, #tpu.memory_space<vmem>> -> memref<1024x32xf32, #tpu.memory_space<vmem>>
        %dma_wait3A_286 = tpu.memref_slice %arg4[%add3A_277, %mul3A_281] : memref<106496x128xf32, #tpu.memory_space<hbm>> -> memref<1024x32xf32, #tpu.memory_space<hbm>>
        %dma_wait3A_287 = tpu.memref_slice %arg8[%rem3A_122] : memref<3x!tpu.dma_semaphore, #tpu.memory_space<semaphore_mem>> -> memref<1x!tpu.dma_semaphore, #tpu.memory_space<semaphore_mem>>
        %dma_wait3A_288 = tpu.memref_squeeze %dma_wait3A_287 : memref<1x!tpu.dma_semaphore, #tpu.memory_space<semaphore_mem>> -> memref<!tpu.dma_semaphore, #tpu.memory_space<semaphore_mem>>
        %dma_wait3A_289 = tpu.memref_slice %arg4[%add3A_277, %mul3A_281] : memref<106496x128xf32, #tpu.memory_space<hbm>> -> memref<1024x32xf32, #tpu.memory_space<hbm>>
        %dma_wait3A_290 = arith.constant 0 : i32
        %dma_wait3A_291 = arith.constant 0 : i32
        %dma_wait3A_292 = tpu.memref_slice %arg6[%rem3A_122, %dma_wait3A_290, %dma_wait3A_291] : memref<3x1024x32xf32, #tpu.memory_space<vmem>> -> memref<1x1024x32xf32, #tpu.memory_space<vmem>>
        %dma_wait3A_293 = tpu.memref_squeeze %dma_wait3A_292 : memref<1x1024x32xf32, #tpu.memory_space<vmem>> -> memref<1024x32xf32, #tpu.memory_space<vmem>>
        tpu.wait_dma2 semaphore(%dma_wait3A_288 : memref<!tpu.dma_semaphore, #tpu.memory_space<semaphore_mem>>) src(%dma_wait3A_293 : memref<1024x32xf32, #tpu.memory_space<vmem>>) dst(%dma_wait3A_289 : memref<1024x32xf32, #tpu.memory_space<hbm>>)
      } else {
      }
      %ge3A_125 = arith.constant 1 : i32
      %ge3A_126 = arith.cmpi sge, %add3A_114, %ge3A_125 : i32
      %add3A_127 = arith.constant 3 : i32
      %add3A_128 = arith.addi %add3A_114, %add3A_127 : i32
      %sub3A_129 = arith.constant 1 : i32
      %sub3A_130 = arith.subi %add3A_128, %sub3A_129 : i32
      %lt3A = arith.constant 13 : i32
      %lt3A_131 = arith.cmpi slt, %sub3A_130, %lt3A : i32
      %and3A_132 = arith.andi %ge3A_126, %lt3A_131 : i1
      %convert_element_type3A_133 = arith.extui %and3A_132 : i1 to i32
      %cond3A_134 = arith.constant 0 : i32
      %cond3A_135 = arith.cmpi ne, %convert_element_type3A_133, %cond3A_134 : i32
      scf.if %cond3A_135 {
        %add3A_220 = arith.constant 3 : i32
        %add3A_221 = arith.addi %add3A_114, %add3A_220 : i32
        %sub3A_222 = arith.constant 1 : i32
        %sub3A_223 = arith.subi %add3A_221, %sub3A_222 : i32
        %mul3A_224 = arith.constant 1024 : i32
        %mul3A_225 = arith.muli %sub3A_223, %mul3A_224 : i32
        %dma_start3A_226 = arith.constant 0 : i32
        %dma_start3A_227 = arith.constant 0 : i32
        %dma_start3A_228 = tpu.memref_slice %arg6[%rem3A_122, %dma_start3A_226, %dma_start3A_227] : memref<3x1024x32xf32, #tpu.memory_space<vmem>> -> memref<1x1024x32xf32, #tpu.memory_space<vmem>>
        %dma_start3A_229 = tpu.memref_squeeze %dma_start3A_228 : memref<1x1024x32xf32, #tpu.memory_space<vmem>> -> memref<1024x32xf32, #tpu.memory_space<vmem>>
        %dma_start3A_230 = tpu.memref_slice %arg5[%mul3A_225] : memref<13312xi32, #tpu.memory_space<vmem>> -> memref<1024xi32, #tpu.memory_space<vmem>>
        %dma_start3A_231 = arith.constant 0 : i32
        %dma_start3A_232 = arith.constant 0 : i32
        %dma_start3A_233 = tpu.memref_slice %arg3[%dma_start3A_231, %dma_start3A_232] : memref<1048576x32xf32, #tpu.memory_space<hbm>> -> memref<1048576x32xf32, #tpu.memory_space<hbm>>
        %dma_start3A_234 = tpu.memref_slice %arg7[%rem3A_122] : memref<3x!tpu.dma_semaphore, #tpu.memory_space<semaphore_mem>> -> memref<1x!tpu.dma_semaphore, #tpu.memory_space<semaphore_mem>>
        %dma_start3A_235 = tpu.memref_squeeze %dma_start3A_234 : memref<1x!tpu.dma_semaphore, #tpu.memory_space<semaphore_mem>> -> memref<!tpu.dma_semaphore, #tpu.memory_space<semaphore_mem>>
        tpu.enqueue_indirect_dma source(%dma_start3A_233 : memref<1048576x32xf32, #tpu.memory_space<hbm>>) target(%dma_start3A_229 : memref<1024x32xf32, #tpu.memory_space<vmem>>) offsets(%dma_start3A_230 : memref<1024xi32, #tpu.memory_space<vmem>>) semaphore(%dma_start3A_235 : memref<!tpu.dma_semaphore, #tpu.memory_space<semaphore_mem>>)
      } else {
      }
      %mul3A_136 = arith.constant 1024 : i32
      %mul3A_137 = arith.muli %add3A_114, %mul3A_136 : i32
      %dma_wait3A_138 = arith.constant 0 : i32
      %dma_wait3A_139 = arith.constant 0 : i32
      %dma_wait3A_140 = tpu.memref_slice %arg6[%rem3A_116, %dma_wait3A_138, %dma_wait3A_139] : memref<3x1024x32xf32, #tpu.memory_space<vmem>> -> memref<1x1024x32xf32, #tpu.memory_space<vmem>>
      %dma_wait3A_141 = tpu.memref_squeeze %dma_wait3A_140 : memref<1x1024x32xf32, #tpu.memory_space<vmem>> -> memref<1024x32xf32, #tpu.memory_space<vmem>>
      %dma_wait3A_142 = tpu.memref_slice %arg5[%mul3A_137] : memref<13312xi32, #tpu.memory_space<vmem>> -> memref<1024xi32, #tpu.memory_space<vmem>>
      %dma_wait3A_143 = arith.constant 0 : i32
      %dma_wait3A_144 = arith.constant 0 : i32
      %dma_wait3A_145 = tpu.memref_slice %arg3[%dma_wait3A_143, %dma_wait3A_144] : memref<1048576x32xf32, #tpu.memory_space<hbm>> -> memref<1048576x32xf32, #tpu.memory_space<hbm>>
      %dma_wait3A_146 = tpu.memref_slice %arg7[%rem3A_116] : memref<3x!tpu.dma_semaphore, #tpu.memory_space<semaphore_mem>> -> memref<1x!tpu.dma_semaphore, #tpu.memory_space<semaphore_mem>>
      %dma_wait3A_147 = tpu.memref_squeeze %dma_wait3A_146 : memref<1x!tpu.dma_semaphore, #tpu.memory_space<semaphore_mem>> -> memref<!tpu.dma_semaphore, #tpu.memory_space<semaphore_mem>>
      tpu.wait_indirect_dma semaphore(%dma_wait3A_147 : memref<!tpu.dma_semaphore, #tpu.memory_space<semaphore_mem>>) src(%dma_wait3A_145 : memref<1048576x32xf32, #tpu.memory_space<hbm>>) dst(%dma_wait3A_141 : memref<1024x32xf32, #tpu.memory_space<vmem>>)
      %mul3A_148 = arith.constant 1024 : i32
      %mul3A_149 = arith.muli %add3A_114, %mul3A_148 : i32
      %add3A_150 = arith.addi %mul3A_2, %mul3A_149 : i32
      %jit3A_151 = arith.constant 4096 : i32
      %div3A_152 = arith.divsi %add3A_150, %jit3A_151 : i32
      %sign3A_153 = arith.constant 0 : i32
      %sign3A_154 = arith.cmpi sgt, %add3A_150, %sign3A_153 : i32
      %sign3A_155 = arith.extui %sign3A_154 : i1 to i32
      %sign3A_156 = arith.constant 0 : i32
      %sign3A_157 = arith.cmpi slt, %add3A_150, %sign3A_156 : i32
      %sign3A_158 = arith.extui %sign3A_157 : i1 to i32
      %sign3A_159 = arith.subi %sign3A_155, %sign3A_158 : i32
      %sign3A_160 = arith.constant 0 : i32
      %sign3A_161 = arith.cmpi sgt, %jit3A_151, %sign3A_160 : i32
      %sign3A_162 = arith.extui %sign3A_161 : i1 to i32
      %sign3A_163 = arith.constant 0 : i32
      %sign3A_164 = arith.cmpi slt, %jit3A_151, %sign3A_163 : i32
      %sign3A_165 = arith.extui %sign3A_164 : i1 to i32
      %sign3A_166 = arith.subi %sign3A_162, %sign3A_165 : i32
      %ne3A_167 = arith.cmpi ne, %sign3A_159, %sign3A_166 : i32
      %rem3A_168 = arith.remsi %add3A_150, %jit3A_151 : i32
      %ne3A_169 = arith.constant 0 : i32
      %ne3A_170 = arith.cmpi ne, %rem3A_168, %ne3A_169 : i32
      %and3A_171 = arith.andi %ne3A_167, %ne3A_170 : i1
      %sub3A_172 = arith.constant 1 : i32
      %sub3A_173 = arith.subi %div3A_152, %sub3A_172 : i32
      %select_n3A_174 = arith.select %and3A_171, %sub3A_173, %div3A_152 : i32
      %rem3A_175 = arith.constant 4096 : i32
      %rem3A_176 = arith.remsi %add3A_150, %rem3A_175 : i32
      %jit3A_177 = arith.constant 4 : i32
      %div3A_178 = arith.divsi %select_n3A_174, %jit3A_177 : i32
      %sign3A_179 = arith.constant 0 : i32
      %sign3A_180 = arith.cmpi sgt, %select_n3A_174, %sign3A_179 : i32
      %sign3A_181 = arith.extui %sign3A_180 : i1 to i32
      %sign3A_182 = arith.constant 0 : i32
      %sign3A_183 = arith.cmpi slt, %select_n3A_174, %sign3A_182 : i32
      %sign3A_184 = arith.extui %sign3A_183 : i1 to i32
      %sign3A_185 = arith.subi %sign3A_181, %sign3A_184 : i32
      %sign3A_186 = arith.constant 0 : i32
      %sign3A_187 = arith.cmpi sgt, %jit3A_177, %sign3A_186 : i32
      %sign3A_188 = arith.extui %sign3A_187 : i1 to i32
      %sign3A_189 = arith.constant 0 : i32
      %sign3A_190 = arith.cmpi slt, %jit3A_177, %sign3A_189 : i32
      %sign3A_191 = arith.extui %sign3A_190 : i1 to i32
      %sign3A_192 = arith.subi %sign3A_188, %sign3A_191 : i32
      %ne3A_193 = arith.cmpi ne, %sign3A_185, %sign3A_192 : i32
      %rem3A_194 = arith.remsi %select_n3A_174, %jit3A_177 : i32
      %ne3A_195 = arith.constant 0 : i32
      %ne3A_196 = arith.cmpi ne, %rem3A_194, %ne3A_195 : i32
      %and3A_197 = arith.andi %ne3A_193, %ne3A_196 : i1
      %sub3A_198 = arith.constant 1 : i32
      %sub3A_199 = arith.subi %div3A_178, %sub3A_198 : i32
      %select_n3A_200 = arith.select %and3A_197, %sub3A_199, %div3A_178 : i32
      %mul3A_201 = arith.constant 4096 : i32
      %mul3A_202 = arith.muli %select_n3A_200, %mul3A_201 : i32
      %add3A_203 = arith.addi %mul3A_202, %rem3A_176 : i32
      %rem3A_204 = arith.constant 4 : i32
      %rem3A_205 = arith.remsi %select_n3A_174, %rem3A_204 : i32
      %mul3A_206 = arith.constant 32 : i32
      %mul3A_207 = arith.muli %rem3A_205, %mul3A_206 : i32
      %dma_start3A_208 = arith.constant 0 : i32
      %dma_start3A_209 = arith.constant 0 : i32
      %dma_start3A_210 = tpu.memref_slice %arg6[%rem3A_116, %dma_start3A_208, %dma_start3A_209] : memref<3x1024x32xf32, #tpu.memory_space<vmem>> -> memref<1x1024x32xf32, #tpu.memory_space<vmem>>
      %dma_start3A_211 = tpu.memref_squeeze %dma_start3A_210 : memref<1x1024x32xf32, #tpu.memory_space<vmem>> -> memref<1024x32xf32, #tpu.memory_space<vmem>>
      %dma_start3A_212 = tpu.memref_slice %arg4[%add3A_203, %mul3A_207] : memref<106496x128xf32, #tpu.memory_space<hbm>> -> memref<1024x32xf32, #tpu.memory_space<hbm>>
      %dma_start3A_213 = tpu.memref_slice %arg8[%rem3A_116] : memref<3x!tpu.dma_semaphore, #tpu.memory_space<semaphore_mem>> -> memref<1x!tpu.dma_semaphore, #tpu.memory_space<semaphore_mem>>
      %dma_start3A_214 = tpu.memref_squeeze %dma_start3A_213 : memref<1x!tpu.dma_semaphore, #tpu.memory_space<semaphore_mem>> -> memref<!tpu.dma_semaphore, #tpu.memory_space<semaphore_mem>>
      %dma_start3A_215 = tpu.memref_slice %arg4[%add3A_203, %mul3A_207] : memref<106496x128xf32, #tpu.memory_space<hbm>> -> memref<1024x32xf32, #tpu.memory_space<hbm>>
      %dma_start3A_216 = arith.constant 0 : i32
      %dma_start3A_217 = arith.constant 0 : i32
      %dma_start3A_218 = tpu.memref_slice %arg6[%rem3A_116, %dma_start3A_216, %dma_start3A_217] : memref<3x1024x32xf32, #tpu.memory_space<vmem>> -> memref<1x1024x32xf32, #tpu.memory_space<vmem>>
      %dma_start3A_219 = tpu.memref_squeeze %dma_start3A_218 : memref<1x1024x32xf32, #tpu.memory_space<vmem>> -> memref<1024x32xf32, #tpu.memory_space<vmem>>
      tpu.enqueue_dma source(%dma_start3A_219 : memref<1024x32xf32, #tpu.memory_space<vmem>>) target(%dma_start3A_215 : memref<1024x32xf32, #tpu.memory_space<hbm>>) target_semaphore(%dma_start3A_214 : memref<!tpu.dma_semaphore, #tpu.memory_space<semaphore_mem>>)
    }
    %scan3A_44 = arith.constant 13 : i32
    %rem3A = arith.constant 12 : i32
    %rem3A_45 = arith.constant 3 : i32
    %rem3A_46 = arith.remsi %rem3A, %rem3A_45 : i32
    %add3A_47 = arith.constant 12288 : i32
    %add3A_48 = arith.addi %mul3A_2, %add3A_47 : i32
    %jit3A = arith.constant 4096 : i32
    %div3A = arith.divsi %add3A_48, %jit3A : i32
    %sign3A = arith.constant 0 : i32
    %sign3A_49 = arith.cmpi sgt, %add3A_48, %sign3A : i32
    %sign3A_50 = arith.extui %sign3A_49 : i1 to i32
    %sign3A_51 = arith.constant 0 : i32
    %sign3A_52 = arith.cmpi slt, %add3A_48, %sign3A_51 : i32
    %sign3A_53 = arith.extui %sign3A_52 : i1 to i32
    %sign3A_54 = arith.subi %sign3A_50, %sign3A_53 : i32
    %sign3A_55 = arith.constant 0 : i32
    %sign3A_56 = arith.cmpi sgt, %jit3A, %sign3A_55 : i32
    %sign3A_57 = arith.extui %sign3A_56 : i1 to i32
    %sign3A_58 = arith.constant 0 : i32
    %sign3A_59 = arith.cmpi slt, %jit3A, %sign3A_58 : i32
    %sign3A_60 = arith.extui %sign3A_59 : i1 to i32
    %sign3A_61 = arith.subi %sign3A_57, %sign3A_60 : i32
    %ne3A = arith.cmpi ne, %sign3A_54, %sign3A_61 : i32
    %rem3A_62 = arith.remsi %add3A_48, %jit3A : i32
    %ne3A_63 = arith.constant 0 : i32
    %ne3A_64 = arith.cmpi ne, %rem3A_62, %ne3A_63 : i32
    %and3A = arith.andi %ne3A, %ne3A_64 : i1
    %sub3A = arith.constant 1 : i32
    %sub3A_65 = arith.subi %div3A, %sub3A : i32
    %select_n3A = arith.select %and3A, %sub3A_65, %div3A : i32
    %rem3A_66 = arith.constant 4096 : i32
    %rem3A_67 = arith.remsi %add3A_48, %rem3A_66 : i32
    %jit3A_68 = arith.constant 4 : i32
    %div3A_69 = arith.divsi %select_n3A, %jit3A_68 : i32
    %sign3A_70 = arith.constant 0 : i32
    %sign3A_71 = arith.cmpi sgt, %select_n3A, %sign3A_70 : i32
    %sign3A_72 = arith.extui %sign3A_71 : i1 to i32
    %sign3A_73 = arith.constant 0 : i32
    %sign3A_74 = arith.cmpi slt, %select_n3A, %sign3A_73 : i32
    %sign3A_75 = arith.extui %sign3A_74 : i1 to i32
    %sign3A_76 = arith.subi %sign3A_72, %sign3A_75 : i32
    %sign3A_77 = arith.constant 0 : i32
    %sign3A_78 = arith.cmpi sgt, %jit3A_68, %sign3A_77 : i32
    %sign3A_79 = arith.extui %sign3A_78 : i1 to i32
    %sign3A_80 = arith.constant 0 : i32
    %sign3A_81 = arith.cmpi slt, %jit3A_68, %sign3A_80 : i32
    %sign3A_82 = arith.extui %sign3A_81 : i1 to i32
    %sign3A_83 = arith.subi %sign3A_79, %sign3A_82 : i32
    %ne3A_84 = arith.cmpi ne, %sign3A_76, %sign3A_83 : i32
    %rem3A_85 = arith.remsi %select_n3A, %jit3A_68 : i32
    %ne3A_86 = arith.constant 0 : i32
    %ne3A_87 = arith.cmpi ne, %rem3A_85, %ne3A_86 : i32
    %and3A_88 = arith.andi %ne3A_84, %ne3A_87 : i1
    %sub3A_89 = arith.constant 1 : i32
    %sub3A_90 = arith.subi %div3A_69, %sub3A_89 : i32
    %select_n3A_91 = arith.select %and3A_88, %sub3A_90, %div3A_69 : i32
    %mul3A_92 = arith.constant 4096 : i32
    %mul3A_93 = arith.muli %select_n3A_91, %mul3A_92 : i32
    %add3A_94 = arith.addi %mul3A_93, %rem3A_67 : i32
    %rem3A_95 = arith.constant 4 : i32
    %rem3A_96 = arith.remsi %select_n3A, %rem3A_95 : i32
    %mul3A_97 = arith.constant 32 : i32
    %mul3A_98 = arith.muli %rem3A_96, %mul3A_97 : i32
    %dma_wait3A = arith.constant 0 : i32
    %dma_wait3A_99 = arith.constant 0 : i32
    %dma_wait3A_100 = tpu.memref_slice %arg6[%rem3A_46, %dma_wait3A, %dma_wait3A_99] : memref<3x1024x32xf32, #tpu.memory_space<vmem>> -> memref<1x1024x32xf32, #tpu.memory_space<vmem>>
    %dma_wait3A_101 = tpu.memref_squeeze %dma_wait3A_100 : memref<1x1024x32xf32, #tpu.memory_space<vmem>> -> memref<1024x32xf32, #tpu.memory_space<vmem>>
    %dma_wait3A_102 = tpu.memref_slice %arg4[%add3A_94, %mul3A_98] : memref<106496x128xf32, #tpu.memory_space<hbm>> -> memref<1024x32xf32, #tpu.memory_space<hbm>>
    %dma_wait3A_103 = tpu.memref_slice %arg8[%rem3A_46] : memref<3x!tpu.dma_semaphore, #tpu.memory_space<semaphore_mem>> -> memref<1x!tpu.dma_semaphore, #tpu.memory_space<semaphore_mem>>
    %dma_wait3A_104 = tpu.memref_squeeze %dma_wait3A_103 : memref<1x!tpu.dma_semaphore, #tpu.memory_space<semaphore_mem>> -> memref<!tpu.dma_semaphore, #tpu.memory_space<semaphore_mem>>
    %dma_wait3A_105 = tpu.memref_slice %arg4[%add3A_94, %mul3A_98] : memref<106496x128xf32, #tpu.memory_space<hbm>> -> memref<1024x32xf32, #tpu.memory_space<hbm>>
    %dma_wait3A_106 = arith.constant 0 : i32
    %dma_wait3A_107 = arith.constant 0 : i32
    %dma_wait3A_108 = tpu.memref_slice %arg6[%rem3A_46, %dma_wait3A_106, %dma_wait3A_107] : memref<3x1024x32xf32, #tpu.memory_space<vmem>> -> memref<1x1024x32xf32, #tpu.memory_space<vmem>>
    %dma_wait3A_109 = tpu.memref_squeeze %dma_wait3A_108 : memref<1x1024x32xf32, #tpu.memory_space<vmem>> -> memref<1024x32xf32, #tpu.memory_space<vmem>>
    tpu.wait_dma2 semaphore(%dma_wait3A_104 : memref<!tpu.dma_semaphore, #tpu.memory_space<semaphore_mem>>) src(%dma_wait3A_109 : memref<1024x32xf32, #tpu.memory_space<vmem>>) dst(%dma_wait3A_105 : memref<1024x32xf32, #tpu.memory_space<hbm>>)
    return
  }
}

module attributes {stable_mosaic.version = 14 : i64} {
  func.func @_pack_table_body(%arg0: i32, %arg1: memref<32x65536xf32, #tpu.memory_space<vmem>>, %arg2: memref<26x16384xi32, #tpu.memory_space<vmem>>, %arg3: memref<16384x128xf32, #tpu.memory_space<vmem>>, %arg4: memref<26x16384xi32, #tpu.memory_space<vmem>>) attributes {dimension_semantics = [#tpu.dimension_semantics<parallel>], iteration_bounds = array<i64: 16>, scalar_prefetch = 0 : i64, scratch_operands = 0 : i64, tpu.core_type = #tpu.core_type<tc>, window_params = [{transform_indices = @transform_0, window_bounds = array<i64: 32, 65536>}, {pipeline_mode = #tpu.pipeline_mode<synchronous>, transform_indices = @transform_1, window_bounds = array<i64: 26, 16384>}, {transform_indices = @transform_2, window_bounds = array<i64: 16384, 128>}, {pipeline_mode = #tpu.pipeline_mode<synchronous>, transform_indices = @transform_3, window_bounds = array<i64: 26, 16384>}]} {
    %get3A = arith.constant 0 : index
    %get3A_0 = arith.constant 0 : index
    %get3A_1 = vector.load %arg1[%get3A, %get3A_0] : memref<32x65536xf32, #tpu.memory_space<vmem>>, vector<32x65536xf32>
    %slice3A = vector.extract_strided_slice %get3A_1 {offsets = [0, 0], sizes = [32, 16384], strides = [1, 1]} : vector<32x65536xf32> to vector<32x16384xf32>
    %slice3A_2 = vector.extract_strided_slice %get3A_1 {offsets = [0, 16384], sizes = [32, 16384], strides = [1, 1]} : vector<32x65536xf32> to vector<32x16384xf32>
    %slice3A_3 = vector.extract_strided_slice %get3A_1 {offsets = [0, 32768], sizes = [32, 16384], strides = [1, 1]} : vector<32x65536xf32> to vector<32x16384xf32>
    %slice3A_4 = vector.extract_strided_slice %get3A_1 {offsets = [0, 49152], sizes = [32, 16384], strides = [1, 1]} : vector<32x65536xf32> to vector<32x16384xf32>
    %concatenate3A = tpu.concatenate %slice3A, %slice3A_2, %slice3A_3, %slice3A_4 in 0 : vector<32x16384xf32>, vector<32x16384xf32>, vector<32x16384xf32>, vector<32x16384xf32> -> vector<128x16384xf32>
    %transpose3A = tpu.transpose %concatenate3A, [1, 0] : vector<128x16384xf32> -> vector<16384x128xf32>
    %swap3A = arith.constant 0 : index
    %swap3A_5 = arith.constant 0 : index
    %swap3A_6 = vector.load %arg3[%swap3A, %swap3A_5] : memref<16384x128xf32, #tpu.memory_space<vmem>>, vector<16384x128xf32>
    tpu.vector_store %arg3[%swap3A, %swap3A_5], %transpose3A {strides = array<i32>} : memref<16384x128xf32, #tpu.memory_space<vmem>>, vector<16384x128xf32>,
    %eq3A = arith.constant 0 : i32
    %eq3A_7 = arith.cmpi eq, %arg0, %eq3A : i32
    %convert_element_type3A = arith.extui %eq3A_7 : i1 to i32
    %cond3A = arith.constant 0 : i32
    %cond3A_8 = arith.cmpi ne, %convert_element_type3A, %cond3A : i32
    scf.if %cond3A_8 {
      %get3A_9 = arith.constant 0 : index
      %get3A_10 = arith.constant 0 : index
      %get3A_11 = vector.load %arg2[%get3A_9, %get3A_10] : memref<26x16384xi32, #tpu.memory_space<vmem>>, vector<26x16384xi32>
      %and3A = arith.constant -65536 : i32
      %and3A_12 = vector.broadcast %and3A : i32 to vector<26x16384xi32>
      %and3A_13 = arith.andi %get3A_11, %and3A_12 : vector<26x16384xi32>
      %and3A_14 = arith.constant 16383 : i32
      %and3A_15 = vector.broadcast %and3A_14 : i32 to vector<26x16384xi32>
      %and3A_16 = arith.andi %get3A_11, %and3A_15 : vector<26x16384xi32>
      %shift_left3A = arith.constant 2 : i32
      %shift_left3A_17 = vector.broadcast %shift_left3A : i32 to vector<26x16384xi32>
      %shift_left3A_18 = arith.shli %and3A_16, %shift_left3A_17 : vector<26x16384xi32>
      %add3A = arith.addi %and3A_13, %shift_left3A_18 : vector<26x16384xi32>
      %shift_right_arithmetic3A = arith.constant 14 : i32
      %shift_right_arithmetic3A_19 = vector.broadcast %shift_right_arithmetic3A : i32 to vector<26x16384xi32>
      %shift_right_arithmetic3A_20 = arith.shrsi %get3A_11, %shift_right_arithmetic3A_19 : vector<26x16384xi32>
      %and3A_21 = arith.constant 3 : i32
      %and3A_22 = vector.broadcast %and3A_21 : i32 to vector<26x16384xi32>
      %and3A_23 = arith.andi %shift_right_arithmetic3A_20, %and3A_22 : vector<26x16384xi32>
      %add3A_24 = arith.addi %add3A, %and3A_23 : vector<26x16384xi32>
      %swap3A_25 = arith.constant 0 : index
      %swap3A_26 = arith.constant 0 : index
      %swap3A_27 = vector.load %arg4[%swap3A_25, %swap3A_26] : memref<26x16384xi32, #tpu.memory_space<vmem>>, vector<26x16384xi32>
      tpu.vector_store %arg4[%swap3A_25, %swap3A_26], %add3A_24 {strides = array<i32>} : memref<26x16384xi32, #tpu.memory_space<vmem>>, vector<26x16384xi32>,
    } else {
    }
    return
  }
  func.func @transform_0(%arg0: i32) -> (i32, i32) {
    %c0_i32 = arith.constant 0 : i32
    %c0_i32_0 = arith.constant 0 : i32
    return %c0_i32, %arg0 : i32, i32
  }
  func.func @transform_1(%arg0: i32) -> (i32, i32) {
    %c0_i32 = arith.constant 0 : i32
    %c0_i32_0 = arith.constant 0 : i32
    %c0_i32_1 = arith.constant 0 : i32
    return %c0_i32, %c0_i32_0 : i32, i32
  }
  func.func @transform_2(%arg0: i32) -> (i32, i32) {
    %c0_i32 = arith.constant 0 : i32
    %c0_i32_0 = arith.constant 0 : i32
    return %arg0, %c0_i32 : i32, i32
  }
  func.func @transform_3(%arg0: i32) -> (i32, i32) {
    %c0_i32 = arith.constant 0 : i32
    %c0_i32_0 = arith.constant 0 : i32
    %c0_i32_1 = arith.constant 0 : i32
    return %c0_i32, %c0_i32_0 : i32, i32
  }
}

module attributes {stable_mosaic.version = 14 : i64} {
  func.func @_unpack_relu_body(%arg0: i32, %arg1: memref<8192x128xf32, #tpu.memory_space<vmem>>, %arg2: memref<2x32x16384xf32, #tpu.memory_space<vmem>>) attributes {dimension_semantics = [#tpu.dimension_semantics<parallel>], iteration_bounds = array<i64: 13>, scalar_prefetch = 0 : i64, scratch_operands = 0 : i64, tpu.core_type = #tpu.core_type<tc>, window_params = [{transform_indices = @transform_0, window_bounds = array<i64: 8192, 128>}, {transform_indices = @transform_1, window_bounds = array<i64: 2, 32, 16384>}]} {
    %get3A = arith.constant 0 : index
    %get3A_0 = arith.constant 0 : index
    %get3A_1 = vector.load %arg1[%get3A, %get3A_0] : memref<8192x128xf32, #tpu.memory_space<vmem>>, vector<8192x128xf32>
    %transpose3A = tpu.transpose %get3A_1, [1, 0] : vector<8192x128xf32> -> vector<128x8192xf32>
    %slice3A = vector.extract_strided_slice %transpose3A {offsets = [0, 0], sizes = [32, 4096], strides = [1, 1]} : vector<128x8192xf32> to vector<32x4096xf32>
    %slice3A_2 = vector.extract_strided_slice %transpose3A {offsets = [32, 0], sizes = [32, 4096], strides = [1, 1]} : vector<128x8192xf32> to vector<32x4096xf32>
    %slice3A_3 = vector.extract_strided_slice %transpose3A {offsets = [64, 0], sizes = [32, 4096], strides = [1, 1]} : vector<128x8192xf32> to vector<32x4096xf32>
    %slice3A_4 = vector.extract_strided_slice %transpose3A {offsets = [96, 0], sizes = [32, 4096], strides = [1, 1]} : vector<128x8192xf32> to vector<32x4096xf32>
    %concatenate3A = tpu.concatenate %slice3A, %slice3A_2, %slice3A_3, %slice3A_4 in 1 : vector<32x4096xf32>, vector<32x4096xf32>, vector<32x4096xf32>, vector<32x4096xf32> -> vector<32x16384xf32>
    %max3A = arith.constant 0.000000e+00 : f32
    %max3A_5 = vector.broadcast %max3A : f32 to vector<32x16384xf32>
    %max3A_6 = arith.maximumf %concatenate3A, %max3A_5 : vector<32x16384xf32>
    %swap3A = arith.constant 0 : index
    %swap3A_7 = arith.constant 0 : index
    %swap3A_8 = arith.constant 0 : index
    %swap3A_9 = vector.load %arg2[%swap3A, %swap3A_7, %swap3A_8] : memref<2x32x16384xf32, #tpu.memory_space<vmem>>, vector<1x32x16384xf32>
    %swap3A_10 = vector.shape_cast %swap3A_9 : vector<1x32x16384xf32> to vector<32x16384xf32>
    %swap3A_11 = vector.shape_cast %max3A_6 : vector<32x16384xf32> to vector<1x32x16384xf32>
    tpu.vector_store %arg2[%swap3A, %swap3A_7, %swap3A_8], %swap3A_11 {strides = array<i32>} : memref<2x32x16384xf32, #tpu.memory_space<vmem>>, vector<1x32x16384xf32>,
    %slice3A_12 = vector.extract_strided_slice %transpose3A {offsets = [0, 4096], sizes = [32, 4096], strides = [1, 1]} : vector<128x8192xf32> to vector<32x4096xf32>
    %slice3A_13 = vector.extract_strided_slice %transpose3A {offsets = [32, 4096], sizes = [32, 4096], strides = [1, 1]} : vector<128x8192xf32> to vector<32x4096xf32>
    %slice3A_14 = vector.extract_strided_slice %transpose3A {offsets = [64, 4096], sizes = [32, 4096], strides = [1, 1]} : vector<128x8192xf32> to vector<32x4096xf32>
    %slice3A_15 = vector.extract_strided_slice %transpose3A {offsets = [96, 4096], sizes = [32, 4096], strides = [1, 1]} : vector<128x8192xf32> to vector<32x4096xf32>
    %concatenate3A_16 = tpu.concatenate %slice3A_12, %slice3A_13, %slice3A_14, %slice3A_15 in 1 : vector<32x4096xf32>, vector<32x4096xf32>, vector<32x4096xf32>, vector<32x4096xf32> -> vector<32x16384xf32>
    %max3A_17 = arith.constant 0.000000e+00 : f32
    %max3A_18 = vector.broadcast %max3A_17 : f32 to vector<32x16384xf32>
    %max3A_19 = arith.maximumf %concatenate3A_16, %max3A_18 : vector<32x16384xf32>
    %swap3A_20 = arith.constant 1 : index
    %swap3A_21 = arith.constant 0 : index
    %swap3A_22 = arith.constant 0 : index
    %swap3A_23 = vector.load %arg2[%swap3A_20, %swap3A_21, %swap3A_22] : memref<2x32x16384xf32, #tpu.memory_space<vmem>>, vector<1x32x16384xf32>
    %swap3A_24 = vector.shape_cast %swap3A_23 : vector<1x32x16384xf32> to vector<32x16384xf32>
    %swap3A_25 = vector.shape_cast %max3A_19 : vector<32x16384xf32> to vector<1x32x16384xf32>
    tpu.vector_store %arg2[%swap3A_20, %swap3A_21, %swap3A_22], %swap3A_25 {strides = array<i32>} : memref<2x32x16384xf32, #tpu.memory_space<vmem>>, vector<1x32x16384xf32>,
    return
  }
  func.func @transform_0(%arg0: i32) -> (i32, i32) {
    %c0_i32 = arith.constant 0 : i32
    %c0_i32_0 = arith.constant 0 : i32
    return %arg0, %c0_i32 : i32, i32
  }
  func.func @transform_1(%arg0: i32) -> (i32, i32, i32) {
    %c0_i32 = arith.constant 0 : i32
    %c0_i32_0 = arith.constant 0 : i32
    %c0_i32_1 = arith.constant 0 : i32
    return %arg0, %c0_i32, %c0_i32_0 : i32, i32, i32
  }
}

</mosaic_0001>

<sc_bundles>
// kernel: kernel.5.cloned.1.call-start
scs
__scs_entry_jumppad:
0x0: {  	(pc) =	sbr.rel $0x88, $3  }
0x1: {  	(tag) =	ssettag $0x0;
	lr =	simm.s32 $0x1  }
0x2: {  	[smem:$0x3F9F] =	sst lr;
	_ =	strace $0xD0000000  }
0x3: {  	_ = 	snop  }
0x4: {  	_ = 	snop  }
0x5: {  	_ = 	snop  }
0x6: {  	_ = 	snop  }
0x7: {  	_ = 	snop  }
__scs_overlays_trampoline_lowered:
0x8: {  	[smem:$0x3FAE] =	sst s0  }
0x9: {  	[smem:$0x3FAF] =	sst s1  }
0xa: {  	[smem:$0x3FB0] =	sst s2  }
0xb: {  	[smem:$0x3FB1] =	sst s3  }
0xc: {  	[smem:$0x3FB2] =	sst s4  }
0xd: {  	[smem:$0x3FB3] =	sst s5  }
0xe: {  	[smem:$0x3FB4] =	sst s6  }
0xf: {  	[smem:$0x3FB5] =	sst s7  }
0x10: {  	[smem:$0x3FB6] =	sst s8  }
0x11: {  	[smem:$0x3FB7] =	sst s9;
	s0 =	simm.s32 @!p0 $0x0  }
0x12: {  	s1 =	sld [smem:$0x3F9D];
	s0 =	simm.s32 @p0 $0x1  }
0x13: {  	[smem:$0x3FB8] =	sst s0;
	s0 =	simm.s32 @!p1 $0x0  }
0x14: {  	s2 =	sld [smem:$0x3F9C];
	s0 =	simm.s32 @p1 $0x1  }
0x15: {  	[smem:$0x3FB9] =	sst s0;
	s0 =	simm.s32 @!p2 $0x0  }
0x16: {  	s3 =	sld [smem:$0x3FDB];
	s0 =	simm.s32 @p2 $0x1  }
0x17: {  	s4 =	simm.s32 $0x1BF5;
	[smem:$0x3FBB] =	sst s0  }
0x18: {  	s0 =	sld [smem:$0x3F9E];
	_ =	swait.ge [sflag:s4], $0x0  }
0x19: {  	s7 =	sld [smem:$0x3F9F]  }
0x1a: {  	s8 =	sadd.s32 $0xFFFFE003, lr  }
0x1b: {  	s9 =	sadd.s32 $0xFFFFFEF7, lr;
	s5 =	simm.s32 $0xFFFFFFFF;
	p2 =	slt.u32 s8, $0xFFFFF086  }
0x1c: {  	p1 =	slt.u32 s9, $0xF7A;
	s5 =	simm.s32 @!p2 $0x0  }
0x1d: {  	s5 =	simm.s32 @p1 $0x1;
	p0 =	seq.s32 s7, s2  }
0x1e: {  	s7 =	smul.u32 @!p0 $0xF7A, s2;
	p2 =	seq.s32 @!p0 s5, $0x0  }
0x1f: {  	s9 =	smul.u32 $0xF7A, s1;
	s8 =	simm.s32 @!p0 $0x1BF5;
	p2 =	por !p2, p0  }
0x20: {  	[sflag:s8] =	ssyncset.s32 @!p0 $0xFFFFF086;
	s6 =	sadd.s32 @!p0 s3, s7;
	s7 =	simm.s32 @!p0 $0x108  }
0x21: {  	s3 =	sadd.s32 s3, s9;
	s6 =	sadd.s32 @!p0 $0x88, s6;
	s7 =	simm.s32 @p2 $0x1082  }
0x22: {  	[simem:s7], [sflag:s8] =	dma.local @!p0 [hbm:s6], $0xF7A  }
0x23: {  	s9 =	sor.u32 $0xD0000000, s2;
	s6 =	simm.s32 $0x108;
	_ =	swait.ge @!p0 [sflag:s8], $0x0  }
0x24: {  	s3 =	sadd.s32 $0x88, s3;
	s6 =	simm.s32 @!p1 $0x1082;
	[sflag:s4] =	ssyncset.s32 $0xFFFFF086  }
0x25: {  	[simem:s6], [sflag:s4] =	dma.local [hbm:s3], $0xF7A  }
0x26: {  	[smem:$0x3F9F] =	sst s1;
	(tag) =	ssettag s2;
	_ =	strace s9  }
0x27: {  	s1 =	sld [smem:$0x3FAF]  }
0x28: {  	s2 =	sld [smem:$0x3FB0]  }
0x29: {  	s4 =	sld [smem:$0x3FB2]  }
0x2a: {  	p0 =	seq.s32 s5, $0x0;
	s5 =	sld [smem:$0x3FB3]  }
0x2b: {  	s6 =	sld [smem:$0x3FB4]  }
0x2c: {  	s7 =	sld [smem:$0x3FB5]  }
0x2d: {  	s3 =	simm.s32 $0x108;
	s8 =	sld [smem:$0x3FB6]  }
0x2e: {  	s3 =	simm.s32 @!p0 $0x1082;
	s9 =	sld [smem:$0x3FB7]  }
0x2f: {  	lr =	sadd.s32 s0, s3;
	s0 =	sld [smem:$0x3FAE]  }
0x30: {  	s3 =	sld [smem:$0x3FB1]  }
0x31: {  	[smem:$0x3FBA] =	sst s10  }
0x32: {  	s10 =	sld [smem:$0x3FB8];
	_ =	sdelay $0x3  }
0x33: {  	p0 =	seq.s32 s10, $0x1;
	s10 =	sld [smem:$0x3FBA];
	_ =	sdelay $0x3  }
0x34: {  	[smem:$0x3FBA] =	sst s10  }
0x35: {  	s10 =	sld [smem:$0x3FB9];
	_ =	sdelay $0x3  }
0x36: {  	p1 =	seq.s32 s10, $0x1;
	s10 =	sld [smem:$0x3FBA];
	_ =	sdelay $0x3  }
0x37: {  	[smem:$0x3FBA] =	sst s10  }
0x38: {  	s10 =	sld [smem:$0x3FBB]  }
0x39: {  	_ = 	snop;
	(pc) =	sbr.ind lr, $3  }
0x3a: {  	_ = 	snop  }
0x3b: {  	_ = 	snop  }
0x3c: {  	p2 =	seq.s32 s10, $0x1;
	s10 =	sld [smem:$0x3FBA]  }
0x3d: {  	_ =	shalt  }
0x3e: {  	_ =	shalt  }
0x3f: {  	_ =	shalt  }
0x40: {  	_ =	shalt  }
0x41: {  	_ =	shalt  }
0x42: {  	_ =	shalt  }
0x43: {  	_ =	shalt  }
0x44: {  	_ =	shalt  }
0x45: {  	_ =	shalt  }
0x46: {  	_ =	shalt  }
0x47: {  	_ =	shalt  }
0x48: {  	_ =	shalt  }
0x49: {  	_ =	shalt  }
0x4a: {  	_ =	shalt  }
0x4b: {  	_ =	shalt  }
0x4c: {  	_ =	shalt  }
0x4d: {  	_ =	shalt  }
0x4e: {  	_ =	shalt  }
0x4f: {  	_ =	shalt  }
0x50: {  	_ =	shalt  }
0x51: {  	_ =	shalt  }
0x52: {  	_ =	shalt  }
0x53: {  	_ =	shalt  }
0x54: {  	_ =	shalt  }
0x55: {  	_ =	shalt  }
0x56: {  	_ =	shalt  }
0x57: {  	_ =	shalt  }
0x58: {  	_ =	shalt  }
0x59: {  	_ =	shalt  }
0x5a: {  	_ =	shalt  }
0x5b: {  	_ =	shalt  }
0x5c: {  	_ =	shalt  }
0x5d: {  	_ =	shalt  }
0x5e: {  	_ =	shalt  }
0x5f: {  	_ =	shalt  }
0x60: {  	_ =	shalt  }
0x61: {  	_ =	shalt  }
0x62: {  	_ =	shalt  }
0x63: {  	_ =	shalt  }
0x64: {  	_ =	shalt  }
0x65: {  	_ =	shalt  }
0x66: {  	_ =	shalt  }
0x67: {  	_ =	shalt  }
0x68: {  	_ =	shalt  }
0x69: {  	_ =	shalt  }
0x6a: {  	_ =	shalt  }
0x6b: {  	_ =	shalt  }
0x6c: {  	_ =	shalt  }
0x6d: {  	_ =	shalt  }
0x6e: {  	_ =	shalt  }
0x6f: {  	_ =	shalt  }
0x70: {  	_ =	shalt  }
0x71: {  	_ =	shalt  }
0x72: {  	_ =	shalt  }
0x73: {  	_ =	shalt  }
0x74: {  	_ =	shalt  }
0x75: {  	_ =	shalt  }
0x76: {  	_ =	shalt  }
0x77: {  	_ =	shalt  }
0x78: {  	_ =	shalt  }
0x79: {  	_ =	shalt  }
0x7a: {  	_ =	shalt  }
0x7b: {  	_ =	shalt  }
0x7c: {  	_ =	shalt  }
0x7d: {  	_ =	shalt  }
0x7e: {  	_ =	shalt  }
0x7f: {  	_ =	shalt  }
0x80: {  	_ =	shalt  }
0x81: {  	_ =	shalt  }
0x82: {  	_ =	shalt  }
0x83: {  	_ =	shalt  }
0x84: {  	_ =	shalt  }
0x85: {  	_ =	shalt  }
0x86: {  	_ =	shalt  }
0x87: {  	_ =	shalt  }
.Lfunc_end0:
.L_simem_size_0:
called_computation_lowered:
.L_overlay_start_0:
0x88: {  	s2 =	sld [smem:$0x3FD9]  }
0x89: {  	s3 =	sld [smem:$0x3FFE];
	_ =	sdelay $0x1  }
0x8a: {  	s1 =	srdreg.scid  }
0x8b: {  	s0 =	sand.u32 $0x1, s1  }
0x8c: {  	s17 =	sshll.u32 s0, $0xA;
	s2 =	sadd.s32 s3, s2  }
0x8d: {  	s2 =	sadd.s32 s2, s17  }
0x8e: {  	[smem:$0x3FC6] =	sst s2  }
0x8f: {  	_ = 	snop  }
0x90: {  	s2 =	sld [smem:$0x3FD0];
	(tm) =	ssettm $0x1  }
0x91: {  	s18 =	sld [smem:$0x3FFB];
	_ =	sdelay $0x3  }
0x92: {  	_ =	strace s18  }
0x93: {  	s3 =	sld [smem:$0x3FFC];
	_ =	sdelay $0x3  }
0x94: {  	_ =	strace s3  }
0x95: {  	s3 =	sld [smem:$0x3FFD];
	_ =	sdelay $0x3  }
0x96: {  	_ =	strace s3  }
0x97: {  	_ =	strace $0x8FFFFFFF  }
0x98: {  	s19 =	sld [smem:$0x3FDB];
	_ =	sdelay $0x1  }
0x99: {  	s4 =	simm.s32 $_scs_section_size  }
0x9a: {  	s5 =	simm.s32 $_size__tile_overlayer_lowered;
	s6 =	simm.s32 $_tile_overlayer_lowered  }
0x9b: {  	s22 =	simm.s32 $0x1BFF;
	s21 =	sshll.u32 s6, $0x1;
	s3 =	sadd.s32 s4, s19  }
0x9c: {  	s7 =	simm.s32 $0x0;
	s20 =	sshll.u32 s5, $0x1;
	s5 =	sadd.s32 s21, s3  }
0x9d: {  	[timem:s7], [sflag:s22] =	dma.local [hbm:s5], s20  }
0x9e: {  	_ =	swait.ge [sflag:s22], s20  }
0x9f: {  	s4 =	ssub.s32 $0x0, s20;
	[sflag:s22] =	ssyncset.done $0x0  }
0xa0: {  	[sflag:s22] =	ssyncadd.s32 s4;
	_ =	sdelay $0x1  }
0xa1: {  	s23 =	simm.s32 $0x1B8B  }
0xa2: {  	_ =	swait.ge [sflag:s23], $0x1  }
0xa3: {  	[sflag:s23] =	ssyncset.done $0x0  }
0xa4: {  	s25 =	simm.s32 $0x1B8E;
	s24 =	sld [smem:$0x3FFE];
	[sflag:s23] =	ssyncadd.s32 $0xFFFFFFFF  }
0xa5: {  	s26 =	simm.s32 $execute0_lowered;
	[smem:$0x3FD2] =	sst s25  }
0xa6: {  	s5 =	sshll.u32 s26, $0x1;
	_ =	strace $0x80000046;
	[dreg:$0x1] =	wrdreg $0xFFFFFFFF  }
0xa7: {  	s28 =	simm.s32 $_size_execute0_lowered;
	s3 =	sadd.s32 s3, s5;
	[dreg:$0x0] =	wrdreg $0x0  }
0xa8: {  	s5 =	sshll.u32 s28, $0x1;
	[dreg:$0x2] =	wrdreg s3  }
0xa9: {  	[dreg:$0x3] =	wrdreg s5  }
0xaa: {  	[dreg:$0x4] =	wrdreg $0xC0  }
0xab: {  	_ =	task [dreg:s7], $0x5FFFF  }
0xac: {  	[dreg:$0x1] =	wrdreg $0xFFFFFFFF  }
0xad: {  	[dreg:$0x0] =	wrdreg $0x60  }
0xae: {  	[dreg:$0x2] =	wrdreg s2  }
0xaf: {  	[dreg:$0x3] =	wrdreg s24  }
0xb0: {  	[dreg:$0x4] =	wrdreg $0x9  }
0xb1: {  	_ =	task.clear_ibuf [dreg:s7], $0x5FFFF;
	_ =	strace $0x90000046  }
0xb2: {  	s29 =	simm.s32 $0x9;
	_ =	strace $0x80000048  }
0xb3: {  	_ =	swait.ge [sflag:s29], $0x1  }
0xb4: {  	[sflag:s29] =	ssyncadd.s32 $0xFFFFFFFF  }
0xb5: {  	_ =	strace $0x90000048  }
0xb6: {  	_ =	sfence  }
0xb7: {  	s30 =	sld [smem:$0x0];
	_ =	sdelay $0x2  }
0xb8: {  	s31 =	sshll.u32 s1, $0xD;
	s1 =	sshrl.u32 s1, $0x2  }
0xb9: {  	s3 =	sand.u32 $0x4000, s31;
	s1 =	sadd.s32 s1, s30  }
0xba: {  	s0 =	sor.u32 s3, s0;
	s1 =	sshll.u32 s1, $0x11  }
0xbb: {  	s0 =	sor.u32 s1, s0  }
0xbc: {  	s0 =	sadd.s32 $0x8F2B, s0  }
0xbd: {  	[sflag:s0] =	ssyncadd.remote.s32 $0x1  }
0xbe: {  	_ =	sfence.sel $0xFFFF  }
0xbf: {  	[dreg:$0x0] =	wrdreg $0xFFFFFFFF;
	(pc) =	sbr.abs _section_cstart, $3  }
0xc0: {  	[dreg:$0x1] =	wrdreg $0xFFFFFFFF  }
0xc1: {  	_ =	task.clear_ibuf [dreg:s7], $0x2FFFF;
	_ =	strace $0x9FFFFFFF  }
0xc2: {  	(tm) =	ssettm $0x7FFFFFFF  }
0xc3: {  	_ =	shalt  }
tec
execute0_lowered:
.L_overlay_start_1:
0x0: {  	(tag) =	ssettag $0x1  }
0x1: {  	s1 =	srdreg.scid  }
0x2: {  	s0 =	stileid.u32;
	s5 =	rddreg [dreg:$0x0]  }
0x3: {  	s6 =	rddreg [dreg:$0x1];
	s2 =	simm.s32 $0x0;
	s30 =	simm.s32 $0x20  }
0x4: {  	s31 =	simm.s32 $0x80;
	s15 =	simm.s32 $0x0;
	s8 =	smul.u32 $0x340000, s0  }
0x5: {  	s4 =	sand.u32 $0x1, s1;
	s26 =	sshll.u32 s0, $0x1;
	s10 =	smul.u32 $0xD0000, s0  }
0x6: {  	[smem:$0x7FF] =	sst s2;
	s3 =	sadd.s32 $0x800, s6;
	s14 =	smul.u32 $0x6800, s0  }
0x7: {  	s6 =	sadd.s32 $0x400800, s6;
	s1 =	sor.u32 s4, s26;
	s9 =	smul.u32 $0x1A0000, s4  }
0x8: {  	s11 =	ssub.s32 $0x2, s4;
	s7 =	smul.u32 $0x3400, s1;
	s1 =	rddreg [dreg:$0x2]  }
0x9: {  	s12 =	smul.u32 $0x68000, s4;
	_ =	strace $0x80000047;
	[dreg:$0x3] =	wrdreg s6  }
0xa: {  	s28 =	smul.u32 $0x3400, s4;
	s13 =	sshrl.u32 s11, $0x1;
	[dreg:$0x5] =	wrdreg s30  }
0xb: {  	[dreg:$0x4] =	wrdreg s31;
	s11 =	ssub.s32 s11, s13;
	s6 =	sadd.s32 s9, s8  }
0xc: {  	s29 =	sadd.s32 s28, s14;
	s9 =	simm.s32 $0x7;
	s13 =	simm.s32 $0x13400  }
0xd: {  	s14 =	simm.s32 $0x4;
	s7 =	sshrl.u32 s7, $0x3;
	s8 =	sshrl.u32 s29, $0x7  }
0xe: {  	s4 =	sadd.s32 s5, s7;
	s5 =	smax.u32 s11, $0x1;
	s7 =	sadd.s32 s12, s10  }
0xf: {  	s10 =	simm.s32 $0x400;
	s11 =	simm.s32 $0x3400;
	s12 =	simm.s32 $0xB400  }
.LBB2_1:
0x10: {  	[tilespmem:s2], [sflag:$0x7] =	stream.linear.gather [hbm4b:s4+s2], $0x3400, $0x38;
	[tilespmem:$0x1B400] =	vst v63  }
0x11: {  	s16 =	smul.u32 $0xAB, s2  }
0x12: {  	s17 =	simm.s32 $0x800;
	p0 =	por $0x1, $0x1;
	_ =	swait.ge [sflag:s9], $0x3400  }
0x13: {  	s24 =	sand.u32 $0x60000, s6;
	[sflag:s9] =	ssyncset.done $0x0;
	s18 =	sadd.s32 $0x156, s16  }
0x14: {  	s30 =	sand.u32 $0x60, s8;
	[sflag:s9] =	ssyncadd.s32 $0xFFFFCC00;
	s18 =	sshrl.u32 s18, $0x9  }
0x15: {  	[tilespmem:s11], [sflag:$0x1] =	stream.indirect.gather [hbm4b:s3+s10], $0x20, s2, s10, $0xb8;
	[tilespmem:$0x1B400] =	vst v63  }
0x16: {  	s31 =	sand.u32 $0x7FF80000, s7;
	s16 =	sshrl.u32 s16, $0x9;
	s18 =	sand.u32 $0x7F, s18  }
0x17: {  	p1 =	por @!p0 $0x0, $0x0;
	s16 =	sand.u32 $0x7F, s16;
	s19 =	smul.u32 $0x3, s18  }
0x18: {  	[tilespmem:s12], [sflag:$0x2] =	stream.indirect.gather [hbm4b:s3+s10], $0x20, s10, s10, $0xb8;
	[tilespmem:$0x1B400] =	vst v63  }
0x19: {  	p1 =	por p1, p0;
	s20 =	smul.u32 $0x3, s16;
	s19 =	ssub.s32 $0x0, s19  }
0x1a: {  	[tilespmem:s13], [sflag:$0x3] =	stream.indirect.gather [hbm4b:s3+s10], $0x20, s17, s10, $0xb8;
	[tilespmem:$0x1B400] =	vst v63  }
0x1b: {  	s25 =	simm.s32 @!p1 $0x400;
	s16 =	simm.s32 $0x1;
	s19 =	sadd.s32 $0x2, s19  }
0x1c: {  	s18 =	simm.s32 $0x2;
	s20 =	ssub.s32 $0x0, s20;
	s19 =	sand.u32 $0xFF, s19  }
0x1d: {  	s28 =	smul.u32 $0xAB, s16;
	s22 =	sand.u32 $0xFF, s20;
	s20 =	sadd.s32 @!p0 $0x4, s19  }
0x1e: {  	s23 =	sshll.u32 s22, $0xF;
	s26 =	sadd.s32 $0x1, s22;
	_ =	swait.ge @!p0 [sflag:s20], $0x8000  }
0x1f: {  	s21 =	sshll.u32 @!p1 s19, $0xF;
	s19 =	sadd.s32 @!p1 $0x1, s19;
	[sflag:s20] =	ssyncset.done @!p0 $0x0  }
0x20: {  	[sflag:s20] =	ssyncadd.s32 @!p0 $0xFFFF8000;
	s20 =	sor.u32 @!p1 $0x3400, s21;
	s21 =	smov.u32 s6  }
0x21: {  	[tilespmem:s20], [sflag:s19] =	stream.indirect.gather @!p1 [hbm4b:s3+s25], $0x20, s17, s25, $0xb8;
	[tilespmem:$0x1B400] =	vst v63  }
0x22: {  	s19 =	sor.u32 s24, s31;
	s20 =	simm.s32 $0xC00;
	_ =	swait.ge [sflag:s26], $0x8000  }
0x23: {  	s17 =	sor.u32 s30, s19;
	s19 =	sadd.s32 $0x8000, s7;
	s24 =	rddreg [dreg:$0x4]  }
0x24: {  	[sflag:s26] =	ssyncset.done $0x0;
	s29 =	sshrl.u32 s17, $0x3;
	s25 =	rddreg [dreg:$0x5]  }
0x25: {  	s17 =	sadd.s32 $0x8, s8;
	[sflag:s26] =	ssyncadd.s32 $0xFFFF8000;
	s26 =	rddreg [dreg:$0x3]  }
.LBB2_2:
0x26: {  	s26 =	sadd.s32 s26, s29;
	s22 =	sadd.s32 $0x4, s22  }
0x27: {  	s23 =	sor.u32 $0x3400, s23;
	s30 =	sshrl.u32 s28, $0x9;
	s28 =	sadd.s32 $0x156, s28  }
0x28: {  	[hbm4b:s26+s25] =	stream.strided.scatter [tilespmem:s23], [sflag:s22], $0x8000, s24, s25, $0x38;
	[tilespmem:$0x1B400] =	vst v63  }
0x29: {  	s28 =	sshrl.u32 s28, $0x9  }
0x2a: {  	s21 =	sadd.s32 $0x20000, s21;
	s28 =	sand.u32 $0x7F, s28  }
0x2b: {  	s29 =	smov.u32 s18;
	s30 =	sand.u32 $0x7F, s30;
	s28 =	smul.u32 $0x3, s28  }
0x2c: {  	s18 =	sadd.s32 $0x1, s18;
	p1 =	seq.s32 s16, $0x0;
	s30 =	smul.u32 $0x3, s30  }
0x2d: {  	p0 =	sne.s32 s18, $0xD;
	p2 =	sgt.u32 @!p1 s16, $0xA;
	s25 =	ssub.s32 s16, s28  }
0x2e: {  	p2 =	por p2, p1;
	s24 =	ssub.s32 s16, s30;
	s23 =	sadd.s32 $0x2, s25  }
0x2f: {  	s30 =	simm.s32 @!p2 $0x400;
	s22 =	sand.u32 $0xFF, s24;
	s24 =	sand.u32 $0xFF, s23  }
0x30: {  	s16 =	smov.u32 s29;
	s28 =	sand.u32 $0x60000, s21;
	s25 =	sadd.s32 @!p1 $0x4, s24  }
0x31: {  	s29 =	sand.u32 $0x60, s17;
	s17 =	sadd.s32 $0x8, s17;
	_ =	swait.ge @!p1 [sflag:s25], $0x8000  }
0x32: {  	s31 =	sadd.s32 $0x1, s22;
	s26 =	sshll.u32 @!p2 s24, $0xF;
	[sflag:s25] =	ssyncset.done @!p1 $0x0  }
0x33: {  	s24 =	sadd.s32 @!p2 $0x1, s24;
	[sflag:s25] =	ssyncadd.s32 @!p1 $0xFFFF8000;
	s25 =	sor.u32 @!p2 $0x3400, s26  }
0x34: {  	[tilespmem:s25], [sflag:s24] =	stream.indirect.gather @!p2 [hbm4b:s3+s30], $0x20, s20, s30, $0xb8;
	[tilespmem:$0x1B400] =	vst v63  }
.Ltmp0:
0x35: {  	s23 =	sshll.u32 s22, $0xF;
	s26 =	sand.u32 $0x7FF80000, s19;
	(pc) =	sbr.rel @p0 .LBB2_2-.Ltmp0, $4  }
0x36: {  	s19 =	sadd.s32 $0x8000, s19;
	s30 =	sor.u32 s28, s26;
	_ =	swait.ge [sflag:s31], $0x8000  }
0x37: {  	s20 =	sadd.s32 $0x400, s20;
	s28 =	smul.u32 $0xAB, s16;
	s24 =	rddreg [dreg:$0x4]  }
0x38: {  	s25 =	sor.u32 s29, s30;
	[sflag:s31] =	ssyncset.done $0x0;
	s26 =	rddreg [dreg:$0x3]  }
0x39: {  	s29 =	sshrl.u32 s25, $0x3;
	s25 =	rddreg [dreg:$0x5];
	[sflag:s31] =	ssyncadd.s32 $0xFFFF8000  }
0x3a: {  	s18 =	sadd.s32 $0x156, s28  }
0x3b: {  	s18 =	sshrl.u32 s18, $0x9  }
0x3c: {  	s26 =	sadd.s32 s26, s29;
	s31 =	sshrl.u32 s28, $0x9;
	s18 =	sand.u32 $0x7F, s18  }
0x3d: {  	s22 =	sadd.s32 $0x4, s22;
	s23 =	sor.u32 $0x3400, s23;
	s18 =	smul.u32 $0x3, s18  }
0x3e: {  	[hbm4b:s26+s25] =	stream.strided.scatter [tilespmem:s23], [sflag:s22], $0x8000, s24, s25, $0x38;
	[tilespmem:$0x1B400] =	vst v63  }
0x3f: {  	p0 =	seq.s32 s16, $0x0;
	s29 =	sand.u32 $0x7F, s31;
	s18 =	ssub.s32 s16, s18  }
0x40: {  	s19 =	sand.u32 $0x7FF80000, s19;
	s22 =	smul.u32 $0x3, s29;
	s18 =	sadd.s32 $0x2, s18  }
0x41: {  	s17 =	sand.u32 $0x60, s17;
	p1 =	sgt.u32 @!p0 s16, $0xA;
	s18 =	sand.u32 $0xFF, s18  }
0x42: {  	p1 =	por p1, p0;
	s30 =	ssub.s32 s16, s22;
	s22 =	sadd.s32 @!p0 $0x4, s18  }
0x43: {  	s15 =	sadd.s32 $0x1, s15;
	s24 =	simm.s32 @!p1 $0x400;
	_ =	swait.ge @!p0 [sflag:s22], $0x8000  }
0x44: {  	s16 =	sand.u32 $0xFF, s30;
	s23 =	sshll.u32 @!p1 s18, $0xF;
	[sflag:s22] =	ssyncset.done @!p0 $0x0  }
0x45: {  	s18 =	sadd.s32 @!p1 $0x1, s18;
	[sflag:s22] =	ssyncadd.s32 @!p0 $0xFFFF8000;
	s22 =	sor.u32 @!p1 $0x3400, s23  }
0x46: {  	[tilespmem:s22], [sflag:s18] =	stream.indirect.gather @!p1 [hbm4b:s3+s24], $0x20, s20, s24, $0xb8;
	[tilespmem:$0x1B400] =	vst v63  }
0x47: {  	s31 =	sadd.s32 $0x1, s16;
	s30 =	sshll.u32 s16, $0xF;
	s24 =	sadd.s32 $0x20000, s21  }
0x48: {  	s16 =	sadd.s32 $0x4, s16;
	_ =	swait.ge [sflag:s31], $0x8000;
	s18 =	sand.u32 $0x60000, s24  }
0x49: {  	p0 =	sne.s32 s15, s5;
	s26 =	rddreg [dreg:$0x4];
	s18 =	sor.u32 s18, s19  }
0x4a: {  	s28 =	rddreg [dreg:$0x3];
	[sflag:s31] =	ssyncset.done $0x0;
	s17 =	sor.u32 s17, s18  }
0x4b: {  	s29 =	rddreg [dreg:$0x5];
	[sflag:s31] =	ssyncadd.s32 $0xFFFF8000;
	s17 =	sshrl.u32 s17, $0x3  }
.Ltmp1:
0x4c: {  	s31 =	sor.u32 $0x3400, s30;
	s17 =	sadd.s32 s28, s17;
	(pc) =	sbr.rel @p0 .LBB2_1-.Ltmp1, $4  }
0x4d: {  	[hbm4b:s17+s29] =	stream.strided.scatter [tilespmem:s31], [sflag:s16], $0x8000, s26, s29, $0x38;
	[tilespmem:$0x1B400] =	vst v63  }
0x4e: {  	_ =	swait.ge [sflag:s14], $0x8000  }
0x4f: {  	[sflag:s14] =	ssyncset.done $0x0  }
0x50: {  	[sflag:s14] =	ssyncadd.s32 $0xFFFF8000  }
0x51: {  	_ =	sfence.sel $0x180000  }
0x52: {  	[bflag:$0x0] =	sbarrier.arrive $0xFFFF  }
0x53: {  	p0 =	sne.s32 s0, $0x0;
	_ =	strace $0x90000047  }
0x54: {  	s0 =	sadd.s32 @!p0 $0x100000, s1;
	[bflag:$0x2] =	sbarrier.arrive $0xFFFF  }
0x55: {  	[sflag:s0] =	ssyncadd.tile.s32 @!p0 $0x1;
	_ =	shalt  }
.Lfunc_end2:
_tile_overlayer_lowered:
.L_overlay_start_2:
0x56: {  	(tag) =	ssettag $0x2  }
0x57: {  	s0 =	rddreg [dreg:$0x0];
	s2 =	stileid.u32  }
0x58: {  	s1 =	rddreg [dreg:$0x1];
	p0 =	sne.s32 s2, $0x0  }
0x59: {  	s3 =	rddreg [dreg:$0x2];
	[bflag:$0x3] =	sbarrier.arrive $0xFFFF;
	s2 =	simm.s32 @!p0 $0x1C07  }
0x5a: {  	[timem:s3], [sflag:s2] =	dma.local @!p0 [hbm:s0], s1  }
0x5b: {  	s0 =	simm.s32 @!p0 $0x7  }
0x5c: {  	_ =	swait.ge @!p0 [sflag:s0], s1  }
0x5d: {  	s1 =	ssub.s32 @!p0 $0x0, s1;
	[sflag:s0] =	ssyncset.done @!p0 $0x0  }
0x5e: {  	[sflag:s0] =	ssyncadd.s32 @!p0 s1  }
0x5f: {  	[bflag:$0x3] =	sbarrier.arrive $0xFFFF  }
0x60: {  	_ =	shalt  }

</sc_bundles>
